<compile_context>
chip_gen: v7x
topology: tpu7x:2x2x1
jax: 0.10.2.dev20260603
libtpu: 0.0.44.dev20260713+nightly
codegen_flags: <defaults>
</compile_context>

<pallas_src>
import functools

import jax
import jax.numpy as jnp
from jax import lax
from jax.experimental import pallas as pl
from jax.experimental.pallas import tpu as pltpu
from jax.experimental.pallas import tpu_sc as plsc


def _gather_call(n_rows, width, seq_len, rows_per_batch):
    info = plsc.get_sparse_core_info()
    nc, ns, lanes = info.num_cores, info.num_subcores, info.num_lanes
    nw = nc * ns
    assert n_rows % nw == 0
    per_w = n_rows // nw
    assert per_w % lanes == 0 and rows_per_batch % per_w == 0
    mesh = plsc.VectorSubcoreMesh(core_axis_name="c", subcore_axis_name="s")

    @functools.partial(
        pl.kernel,
        mesh=mesh,
        out_type=jax.ShapeDtypeStruct((n_rows, width), jnp.float32),
        scratch_types=[
            pltpu.VMEM((per_w,), jnp.int32),
            pltpu.VMEM((per_w, width), jnp.float32),
            pltpu.SemaphoreType.DMA,
        ],
    )
    def k(table_hbm, pos_hbm, out_hbm, idx_v, rows_v, sem):
        wid = lax.axis_index("s") * nc + lax.axis_index("c")
        base = wid * per_w
        with jax.named_scope("idx_load"):
            pltpu.sync_copy(pos_hbm.at[pl.ds(base, per_w)], idx_v)
            off = (base // rows_per_batch) * seq_len
            for i in range(per_w // lanes):
                sl = pl.ds(i * lanes, lanes)
                idx_v[sl] = idx_v[sl] + off
        with jax.named_scope("gather"):
            pltpu.async_copy(table_hbm.at[idx_v], rows_v, sem).wait()
        with jax.named_scope("writeback"):
            pltpu.sync_copy(rows_v, out_hbm.at[pl.ds(base, per_w)])

    return k


def kernel(sequence_tensor, positions):
    batch, seq_len, width = sequence_tensor.shape
    n_rows = positions.shape[0] * positions.shape[1]
    table = sequence_tensor.reshape(batch * seq_len, width)
    flat_pos = positions.reshape(n_rows).astype(jnp.int32)
    call = _gather_call(n_rows, width, seq_len, positions.shape[1])
    return call(table, flat_pos)

# --- scband reference (transcript-rebuilt; emitter-appended) ---
"""Pipeline reference for scband-gather-indexes-12317966205483 (READ-ONLY COPY).

The authoritative reference and input builder live on the scoring server;
editing this copy changes nothing except your own understanding.
"""

import jax, jax.numpy as jnp
import numpy as np

def setup_inputs(seed: int = 0) -> dict:
    key = jax.random.key(seed)
    k1, k2 = jax.random.split(key)
    sequence_tensor = jax.random.normal(k1, (4, 8192, 768), dtype=jnp.float32)
    positions = jax.random.randint(k2, (4, 1024), 0, 8192, dtype=jnp.int64)
    return {"sequence_tensor": sequence_tensor, "positions": positions}

def reference(sequence_tensor, positions):
    batch_size, seq_length, width = sequence_tensor.shape
    flat_offsets = jnp.reshape(jnp.arange(batch_size) * seq_length, [-1, 1])
    flat_positions = jnp.reshape(positions + flat_offsets, [-1])
    flat_sequence_tensor = jnp.reshape(sequence_tensor, [batch_size * seq_length, width])
    output_tensor = jnp.take(flat_sequence_tensor, flat_positions, axis=0)
    return output_tensor

if __name__ == "__main__":
    import jax
    _d = setup_inputs()
    print(jax.jit(kernel)(*tuple(_d.values())))

</pallas_src>

<mosaic_0001>
#map = affine_map<(d0, d1) -> (0, 0)>
#map1 = affine_map<(d0, d1) -> (0)>
module attributes {stable_mosaic.version = 14 : i64} {
  func.func @k(%arg0: i32, %arg1: i32, %arg2: memref<32768x768xf32, #tpu.memory_space<hbm>>, %arg3: memref<4096xi32, #tpu.memory_space<hbm>>, %arg4: memref<4096x768xf32, #tpu.memory_space<hbm>>, %arg5: memref<128xi32, #tpu.memory_space<vmem>>, %arg6: memref<128x768xf32, #tpu.memory_space<vmem>>, %arg7: memref<!tpu.dma_semaphore, #tpu.memory_space<semaphore_mem>>) attributes {dimension_semantics = [#tpu.dimension_semantics<core_parallel>, #tpu.dimension_semantics<subcore_parallel>], iteration_bounds = array<i64: 2, 16>, scalar_prefetch = 0 : i64, scratch_operands = 3 : i64, tpu.core_type = #tpu.core_type<sc_vector_subcore>, window_params = [{transform_indices = #map}, {transform_indices = #map1}, {transform_indices = #map}]} {
    %mul3A = arith.constant 2 : i32
    %mul3A_0 = arith.muli %arg1, %mul3A : i32
    %add3A = arith.addi %mul3A_0, %arg0 : i32
    %mul3A_1 = arith.constant 128 : i32
    %mul3A_2 = arith.muli %add3A, %mul3A_1 : i32
    "tpu.trace_start"() <{level = 10 : i32, message = "idx_load"}> : () -> ()
    "tpu.region"() ({
      %run_scoped3A = tpu.sem_alloc : memref<!tpu.dma_semaphore, #tpu.memory_space<semaphore_mem>>
      %dma_start3A_95 = tpu.memref_slice %arg3[%mul3A_2] : memref<4096xi32, #tpu.memory_space<hbm>> -> memref<128xi32, #tpu.memory_space<hbm>>
      %dma_start3A_96 = tpu.memref_slice %arg3[%mul3A_2] : memref<4096xi32, #tpu.memory_space<hbm>> -> memref<128xi32, #tpu.memory_space<hbm>>
      tpu.enqueue_dma source(%dma_start3A_96 : memref<128xi32, #tpu.memory_space<hbm>>) target(%arg5 : memref<128xi32, #tpu.memory_space<vmem>>) target_semaphore(%run_scoped3A : memref<!tpu.dma_semaphore, #tpu.memory_space<semaphore_mem>>)
      %dma_wait3A_97 = tpu.memref_slice %arg3[%mul3A_2] : memref<4096xi32, #tpu.memory_space<hbm>> -> memref<128xi32, #tpu.memory_space<hbm>>
      %dma_wait3A_98 = tpu.memref_slice %arg3[%mul3A_2] : memref<4096xi32, #tpu.memory_space<hbm>> -> memref<128xi32, #tpu.memory_space<hbm>>
      tpu.wait_dma2 semaphore(%run_scoped3A : memref<!tpu.dma_semaphore, #tpu.memory_space<semaphore_mem>>) src(%dma_wait3A_98 : memref<128xi32, #tpu.memory_space<hbm>>) dst(%arg5 : memref<128xi32, #tpu.memory_space<vmem>>)
      tpu.yield
    }) : () -> ()
    %jit3A = arith.constant 1024 : i32
    %div3A = arith.divsi %mul3A_2, %jit3A : i32
    %sign3A = arith.constant 0 : i32
    %sign3A_3 = arith.cmpi sgt, %mul3A_2, %sign3A : i32
    %sign3A_4 = arith.extui %sign3A_3 : i1 to i32
    %sign3A_5 = arith.constant 0 : i32
    %sign3A_6 = arith.cmpi slt, %mul3A_2, %sign3A_5 : i32
    %sign3A_7 = arith.extui %sign3A_6 : i1 to i32
    %sign3A_8 = arith.subi %sign3A_4, %sign3A_7 : i32
    %sign3A_9 = arith.constant 0 : i32
    %sign3A_10 = arith.cmpi sgt, %jit3A, %sign3A_9 : i32
    %sign3A_11 = arith.extui %sign3A_10 : i1 to i32
    %sign3A_12 = arith.constant 0 : i32
    %sign3A_13 = arith.cmpi slt, %jit3A, %sign3A_12 : i32
    %sign3A_14 = arith.extui %sign3A_13 : i1 to i32
    %sign3A_15 = arith.subi %sign3A_11, %sign3A_14 : i32
    %ne3A = arith.cmpi ne, %sign3A_8, %sign3A_15 : i32
    %rem3A = arith.remsi %mul3A_2, %jit3A : i32
    %ne3A_16 = arith.constant 0 : i32
    %ne3A_17 = arith.cmpi ne, %rem3A, %ne3A_16 : i32
    %and3A = arith.andi %ne3A, %ne3A_17 : i1
    %sub3A = arith.constant 1 : i32
    %sub3A_18 = arith.subi %div3A, %sub3A : i32
    %select_n3A = arith.select %and3A, %sub3A_18, %div3A : i32
    %mul3A_19 = arith.constant 8192 : i32
    %mul3A_20 = arith.muli %select_n3A, %mul3A_19 : i32
    %get3A = arith.constant 0 : index
    %get3A_21 = tpu.vector_load %arg5[%get3A] {strides = array<i32>} : memref<128xi32, #tpu.memory_space<vmem>>, vector<16xi32>,
    %get3A_22 = vector.shape_cast %get3A_21 : vector<16xi32> to vector<16xi32>
    %add3A_23 = vector.broadcast %mul3A_20 : i32 to vector<16xi32>
    %add3A_24 = arith.addi %get3A_22, %add3A_23 : vector<16xi32>
    %swap3A = arith.constant 0 : index
    %swap3A_25 = tpu.vector_load %arg5[%swap3A] {strides = array<i32>} : memref<128xi32, #tpu.memory_space<vmem>>, vector<16xi32>,
    %swap3A_26 = vector.shape_cast %swap3A_25 : vector<16xi32> to vector<16xi32>
    %swap3A_27 = vector.shape_cast %add3A_24 : vector<16xi32> to vector<16xi32>
    tpu.vector_store %arg5[%swap3A], %swap3A_27 {strides = array<i32>} : memref<128xi32, #tpu.memory_space<vmem>>, vector<16xi32>,
    %get3A_28 = arith.constant 16 : index
    %get3A_29 = tpu.vector_load %arg5[%get3A_28] {strides = array<i32>} : memref<128xi32, #tpu.memory_space<vmem>>, vector<16xi32>,
    %get3A_30 = vector.shape_cast %get3A_29 : vector<16xi32> to vector<16xi32>
    %add3A_31 = vector.broadcast %mul3A_20 : i32 to vector<16xi32>
    %add3A_32 = arith.addi %get3A_30, %add3A_31 : vector<16xi32>
    %swap3A_33 = arith.constant 16 : index
    %swap3A_34 = tpu.vector_load %arg5[%swap3A_33] {strides = array<i32>} : memref<128xi32, #tpu.memory_space<vmem>>, vector<16xi32>,
    %swap3A_35 = vector.shape_cast %swap3A_34 : vector<16xi32> to vector<16xi32>
    %swap3A_36 = vector.shape_cast %add3A_32 : vector<16xi32> to vector<16xi32>
    tpu.vector_store %arg5[%swap3A_33], %swap3A_36 {strides = array<i32>} : memref<128xi32, #tpu.memory_space<vmem>>, vector<16xi32>,
    %get3A_37 = arith.constant 32 : index
    %get3A_38 = tpu.vector_load %arg5[%get3A_37] {strides = array<i32>} : memref<128xi32, #tpu.memory_space<vmem>>, vector<16xi32>,
    %get3A_39 = vector.shape_cast %get3A_38 : vector<16xi32> to vector<16xi32>
    %add3A_40 = vector.broadcast %mul3A_20 : i32 to vector<16xi32>
    %add3A_41 = arith.addi %get3A_39, %add3A_40 : vector<16xi32>
    %swap3A_42 = arith.constant 32 : index
    %swap3A_43 = tpu.vector_load %arg5[%swap3A_42] {strides = array<i32>} : memref<128xi32, #tpu.memory_space<vmem>>, vector<16xi32>,
    %swap3A_44 = vector.shape_cast %swap3A_43 : vector<16xi32> to vector<16xi32>
    %swap3A_45 = vector.shape_cast %add3A_41 : vector<16xi32> to vector<16xi32>
    tpu.vector_store %arg5[%swap3A_42], %swap3A_45 {strides = array<i32>} : memref<128xi32, #tpu.memory_space<vmem>>, vector<16xi32>,
    %get3A_46 = arith.constant 48 : index
    %get3A_47 = tpu.vector_load %arg5[%get3A_46] {strides = array<i32>} : memref<128xi32, #tpu.memory_space<vmem>>, vector<16xi32>,
    %get3A_48 = vector.shape_cast %get3A_47 : vector<16xi32> to vector<16xi32>
    %add3A_49 = vector.broadcast %mul3A_20 : i32 to vector<16xi32>
    %add3A_50 = arith.addi %get3A_48, %add3A_49 : vector<16xi32>
    %swap3A_51 = arith.constant 48 : index
    %swap3A_52 = tpu.vector_load %arg5[%swap3A_51] {strides = array<i32>} : memref<128xi32, #tpu.memory_space<vmem>>, vector<16xi32>,
    %swap3A_53 = vector.shape_cast %swap3A_52 : vector<16xi32> to vector<16xi32>
    %swap3A_54 = vector.shape_cast %add3A_50 : vector<16xi32> to vector<16xi32>
    tpu.vector_store %arg5[%swap3A_51], %swap3A_54 {strides = array<i32>} : memref<128xi32, #tpu.memory_space<vmem>>, vector<16xi32>,
    %get3A_55 = arith.constant 64 : index
    %get3A_56 = tpu.vector_load %arg5[%get3A_55] {strides = array<i32>} : memref<128xi32, #tpu.memory_space<vmem>>, vector<16xi32>,
    %get3A_57 = vector.shape_cast %get3A_56 : vector<16xi32> to vector<16xi32>
    %add3A_58 = vector.broadcast %mul3A_20 : i32 to vector<16xi32>
    %add3A_59 = arith.addi %get3A_57, %add3A_58 : vector<16xi32>
    %swap3A_60 = arith.constant 64 : index
    %swap3A_61 = tpu.vector_load %arg5[%swap3A_60] {strides = array<i32>} : memref<128xi32, #tpu.memory_space<vmem>>, vector<16xi32>,
    %swap3A_62 = vector.shape_cast %swap3A_61 : vector<16xi32> to vector<16xi32>
    %swap3A_63 = vector.shape_cast %add3A_59 : vector<16xi32> to vector<16xi32>
    tpu.vector_store %arg5[%swap3A_60], %swap3A_63 {strides = array<i32>} : memref<128xi32, #tpu.memory_space<vmem>>, vector<16xi32>,
    %get3A_64 = arith.constant 80 : index
    %get3A_65 = tpu.vector_load %arg5[%get3A_64] {strides = array<i32>} : memref<128xi32, #tpu.memory_space<vmem>>, vector<16xi32>,
    %get3A_66 = vector.shape_cast %get3A_65 : vector<16xi32> to vector<16xi32>
    %add3A_67 = vector.broadcast %mul3A_20 : i32 to vector<16xi32>
    %add3A_68 = arith.addi %get3A_66, %add3A_67 : vector<16xi32>
    %swap3A_69 = arith.constant 80 : index
    %swap3A_70 = tpu.vector_load %arg5[%swap3A_69] {strides = array<i32>} : memref<128xi32, #tpu.memory_space<vmem>>, vector<16xi32>,
    %swap3A_71 = vector.shape_cast %swap3A_70 : vector<16xi32> to vector<16xi32>
    %swap3A_72 = vector.shape_cast %add3A_68 : vector<16xi32> to vector<16xi32>
    tpu.vector_store %arg5[%swap3A_69], %swap3A_72 {strides = array<i32>} : memref<128xi32, #tpu.memory_space<vmem>>, vector<16xi32>,
    %get3A_73 = arith.constant 96 : index
    %get3A_74 = tpu.vector_load %arg5[%get3A_73] {strides = array<i32>} : memref<128xi32, #tpu.memory_space<vmem>>, vector<16xi32>,
    %get3A_75 = vector.shape_cast %get3A_74 : vector<16xi32> to vector<16xi32>
    %add3A_76 = vector.broadcast %mul3A_20 : i32 to vector<16xi32>
    %add3A_77 = arith.addi %get3A_75, %add3A_76 : vector<16xi32>
    %swap3A_78 = arith.constant 96 : index
    %swap3A_79 = tpu.vector_load %arg5[%swap3A_78] {strides = array<i32>} : memref<128xi32, #tpu.memory_space<vmem>>, vector<16xi32>,
    %swap3A_80 = vector.shape_cast %swap3A_79 : vector<16xi32> to vector<16xi32>
    %swap3A_81 = vector.shape_cast %add3A_77 : vector<16xi32> to vector<16xi32>
    tpu.vector_store %arg5[%swap3A_78], %swap3A_81 {strides = array<i32>} : memref<128xi32, #tpu.memory_space<vmem>>, vector<16xi32>,
    %get3A_82 = arith.constant 112 : index
    %get3A_83 = tpu.vector_load %arg5[%get3A_82] {strides = array<i32>} : memref<128xi32, #tpu.memory_space<vmem>>, vector<16xi32>,
    %get3A_84 = vector.shape_cast %get3A_83 : vector<16xi32> to vector<16xi32>
    %add3A_85 = vector.broadcast %mul3A_20 : i32 to vector<16xi32>
    %add3A_86 = arith.addi %get3A_84, %add3A_85 : vector<16xi32>
    %swap3A_87 = arith.constant 112 : index
    %swap3A_88 = tpu.vector_load %arg5[%swap3A_87] {strides = array<i32>} : memref<128xi32, #tpu.memory_space<vmem>>, vector<16xi32>,
    %swap3A_89 = vector.shape_cast %swap3A_88 : vector<16xi32> to vector<16xi32>
    %swap3A_90 = vector.shape_cast %add3A_86 : vector<16xi32> to vector<16xi32>
    tpu.vector_store %arg5[%swap3A_87], %swap3A_90 {strides = array<i32>} : memref<128xi32, #tpu.memory_space<vmem>>, vector<16xi32>,
    "tpu.trace_stop"() : () -> ()
    "tpu.trace_start"() <{level = 10 : i32, message = "gather"}> : () -> ()
    %dma_start3A = arith.constant 0 : i32
    %dma_start3A_91 = arith.constant 0 : i32
    %dma_start3A_92 = tpu.memref_slice %arg2[%dma_start3A, %dma_start3A_91] : memref<32768x768xf32, #tpu.memory_space<hbm>> -> memref<32768x768xf32, #tpu.memory_space<hbm>>
    tpu.enqueue_indirect_dma source(%dma_start3A_92 : memref<32768x768xf32, #tpu.memory_space<hbm>>) target(%arg6 : memref<128x768xf32, #tpu.memory_space<vmem>>) offsets(%arg5 : memref<128xi32, #tpu.memory_space<vmem>>) semaphore(%arg7 : memref<!tpu.dma_semaphore, #tpu.memory_space<semaphore_mem>>)
    %dma_wait3A = arith.constant 0 : i32
    %dma_wait3A_93 = arith.constant 0 : i32
    %dma_wait3A_94 = tpu.memref_slice %arg2[%dma_wait3A, %dma_wait3A_93] : memref<32768x768xf32, #tpu.memory_space<hbm>> -> memref<32768x768xf32, #tpu.memory_space<hbm>>
    tpu.wait_indirect_dma semaphore(%arg7 : memref<!tpu.dma_semaphore, #tpu.memory_space<semaphore_mem>>) src(%dma_wait3A_94 : memref<32768x768xf32, #tpu.memory_space<hbm>>) dst(%arg6 : memref<128x768xf32, #tpu.memory_space<vmem>>)
    "tpu.trace_stop"() : () -> ()
    "tpu.trace_start"() <{level = 10 : i32, message = "writeback"}> : () -> ()
    "tpu.region"() ({
      %run_scoped3A = tpu.sem_alloc : memref<!tpu.dma_semaphore, #tpu.memory_space<semaphore_mem>>
      %dma_start3A_95 = arith.constant 0 : i32
      %dma_start3A_96 = tpu.memref_slice %arg4[%mul3A_2, %dma_start3A_95] : memref<4096x768xf32, #tpu.memory_space<hbm>> -> memref<128x768xf32, #tpu.memory_space<hbm>>
      %dma_start3A_97 = arith.constant 0 : i32
      %dma_start3A_98 = tpu.memref_slice %arg4[%mul3A_2, %dma_start3A_97] : memref<4096x768xf32, #tpu.memory_space<hbm>> -> memref<128x768xf32, #tpu.memory_space<hbm>>
      tpu.enqueue_dma source(%arg6 : memref<128x768xf32, #tpu.memory_space<vmem>>) target(%dma_start3A_98 : memref<128x768xf32, #tpu.memory_space<hbm>>) target_semaphore(%run_scoped3A : memref<!tpu.dma_semaphore, #tpu.memory_space<semaphore_mem>>)
      %dma_wait3A_99 = arith.constant 0 : i32
      %dma_wait3A_100 = tpu.memref_slice %arg4[%mul3A_2, %dma_wait3A_99] : memref<4096x768xf32, #tpu.memory_space<hbm>> -> memref<128x768xf32, #tpu.memory_space<hbm>>
      %dma_wait3A_101 = arith.constant 0 : i32
      %dma_wait3A_102 = tpu.memref_slice %arg4[%mul3A_2, %dma_wait3A_101] : memref<4096x768xf32, #tpu.memory_space<hbm>> -> memref<128x768xf32, #tpu.memory_space<hbm>>
      tpu.wait_dma2 semaphore(%run_scoped3A : memref<!tpu.dma_semaphore, #tpu.memory_space<semaphore_mem>>) src(%arg6 : memref<128x768xf32, #tpu.memory_space<vmem>>) dst(%dma_wait3A_102 : memref<128x768xf32, #tpu.memory_space<hbm>>)
      tpu.yield
    }) : () -> ()
    "tpu.trace_stop"() : () -> ()
    return
  }
}

</mosaic_0001>

<sc_bundles>
// kernel: kernel.3.cloned.1.call-start
scs
__scs_entry_jumppad:
0x0: {  	(pc) =	sbr.rel $0x88, $3  }
0x1: {  	(tag) =	ssettag $0x0;
	lr =	simm.s32 $0x1  }
0x2: {  	[smem:$0x3F9F] =	sst lr;
	_ =	strace $0xD0000000  }
0x3: {  	_ = 	snop  }
0x4: {  	_ = 	snop  }
0x5: {  	_ = 	snop  }
0x6: {  	_ = 	snop  }
0x7: {  	_ = 	snop  }
__scs_overlays_trampoline_lowered:
0x8: {  	[smem:$0x3FAE] =	sst s0  }
0x9: {  	[smem:$0x3FAF] =	sst s1  }
0xa: {  	[smem:$0x3FB0] =	sst s2  }
0xb: {  	[smem:$0x3FB1] =	sst s3  }
0xc: {  	[smem:$0x3FB2] =	sst s4  }
0xd: {  	[smem:$0x3FB3] =	sst s5  }
0xe: {  	[smem:$0x3FB4] =	sst s6  }
0xf: {  	[smem:$0x3FB5] =	sst s7  }
0x10: {  	[smem:$0x3FB6] =	sst s8  }
0x11: {  	[smem:$0x3FB7] =	sst s9;
	s0 =	simm.s32 @!p0 $0x0  }
0x12: {  	s1 =	sld [smem:$0x3F9D];
	s0 =	simm.s32 @p0 $0x1  }
0x13: {  	[smem:$0x3FB8] =	sst s0;
	s0 =	simm.s32 @!p1 $0x0  }
0x14: {  	s2 =	sld [smem:$0x3F9C];
	s0 =	simm.s32 @p1 $0x1  }
0x15: {  	[smem:$0x3FB9] =	sst s0;
	s0 =	simm.s32 @!p2 $0x0  }
0x16: {  	s3 =	sld [smem:$0x3FDB];
	s0 =	simm.s32 @p2 $0x1  }
0x17: {  	s4 =	simm.s32 $0x1BF5;
	[smem:$0x3FBB] =	sst s0  }
0x18: {  	s0 =	sld [smem:$0x3F9E];
	_ =	swait.ge [sflag:s4], $0x0  }
0x19: {  	s7 =	sld [smem:$0x3F9F]  }
0x1a: {  	s8 =	sadd.s32 $0xFFFFE003, lr  }
0x1b: {  	s9 =	sadd.s32 $0xFFFFFEF7, lr;
	s5 =	simm.s32 $0xFFFFFFFF;
	p2 =	slt.u32 s8, $0xFFFFF086  }
0x1c: {  	p1 =	slt.u32 s9, $0xF7A;
	s5 =	simm.s32 @!p2 $0x0  }
0x1d: {  	s5 =	simm.s32 @p1 $0x1;
	p0 =	seq.s32 s7, s2  }
0x1e: {  	s7 =	smul.u32 @!p0 $0xF7A, s2;
	p2 =	seq.s32 @!p0 s5, $0x0  }
0x1f: {  	s9 =	smul.u32 $0xF7A, s1;
	s8 =	simm.s32 @!p0 $0x1BF5;
	p2 =	por !p2, p0  }
0x20: {  	[sflag:s8] =	ssyncset.s32 @!p0 $0xFFFFF086;
	s6 =	sadd.s32 @!p0 s3, s7;
	s7 =	simm.s32 @!p0 $0x108  }
0x21: {  	s3 =	sadd.s32 s3, s9;
	s6 =	sadd.s32 @!p0 $0x88, s6;
	s7 =	simm.s32 @p2 $0x1082  }
0x22: {  	[simem:s7], [sflag:s8] =	dma.local @!p0 [hbm:s6], $0xF7A  }
0x23: {  	s9 =	sor.u32 $0xD0000000, s2;
	s6 =	simm.s32 $0x108;
	_ =	swait.ge @!p0 [sflag:s8], $0x0  }
0x24: {  	s3 =	sadd.s32 $0x88, s3;
	s6 =	simm.s32 @!p1 $0x1082;
	[sflag:s4] =	ssyncset.s32 $0xFFFFF086  }
0x25: {  	[simem:s6], [sflag:s4] =	dma.local [hbm:s3], $0xF7A  }
0x26: {  	[smem:$0x3F9F] =	sst s1;
	(tag) =	ssettag s2;
	_ =	strace s9  }
0x27: {  	s1 =	sld [smem:$0x3FAF]  }
0x28: {  	s2 =	sld [smem:$0x3FB0]  }
0x29: {  	s4 =	sld [smem:$0x3FB2]  }
0x2a: {  	p0 =	seq.s32 s5, $0x0;
	s5 =	sld [smem:$0x3FB3]  }
0x2b: {  	s6 =	sld [smem:$0x3FB4]  }
0x2c: {  	s7 =	sld [smem:$0x3FB5]  }
0x2d: {  	s3 =	simm.s32 $0x108;
	s8 =	sld [smem:$0x3FB6]  }
0x2e: {  	s3 =	simm.s32 @!p0 $0x1082;
	s9 =	sld [smem:$0x3FB7]  }
0x2f: {  	lr =	sadd.s32 s0, s3;
	s0 =	sld [smem:$0x3FAE]  }
0x30: {  	s3 =	sld [smem:$0x3FB1]  }
0x31: {  	[smem:$0x3FBA] =	sst s10  }
0x32: {  	s10 =	sld [smem:$0x3FB8];
	_ =	sdelay $0x3  }
0x33: {  	p0 =	seq.s32 s10, $0x1;
	s10 =	sld [smem:$0x3FBA];
	_ =	sdelay $0x3  }
0x34: {  	[smem:$0x3FBA] =	sst s10  }
0x35: {  	s10 =	sld [smem:$0x3FB9];
	_ =	sdelay $0x3  }
0x36: {  	p1 =	seq.s32 s10, $0x1;
	s10 =	sld [smem:$0x3FBA];
	_ =	sdelay $0x3  }
0x37: {  	[smem:$0x3FBA] =	sst s10  }
0x38: {  	s10 =	sld [smem:$0x3FBB]  }
0x39: {  	_ = 	snop;
	(pc) =	sbr.ind lr, $3  }
0x3a: {  	_ = 	snop  }
0x3b: {  	_ = 	snop  }
0x3c: {  	p2 =	seq.s32 s10, $0x1;
	s10 =	sld [smem:$0x3FBA]  }
0x3d: {  	_ =	shalt  }
0x3e: {  	_ =	shalt  }
0x3f: {  	_ =	shalt  }
0x40: {  	_ =	shalt  }
0x41: {  	_ =	shalt  }
0x42: {  	_ =	shalt  }
0x43: {  	_ =	shalt  }
0x44: {  	_ =	shalt  }
0x45: {  	_ =	shalt  }
0x46: {  	_ =	shalt  }
0x47: {  	_ =	shalt  }
0x48: {  	_ =	shalt  }
0x49: {  	_ =	shalt  }
0x4a: {  	_ =	shalt  }
0x4b: {  	_ =	shalt  }
0x4c: {  	_ =	shalt  }
0x4d: {  	_ =	shalt  }
0x4e: {  	_ =	shalt  }
0x4f: {  	_ =	shalt  }
0x50: {  	_ =	shalt  }
0x51: {  	_ =	shalt  }
0x52: {  	_ =	shalt  }
0x53: {  	_ =	shalt  }
0x54: {  	_ =	shalt  }
0x55: {  	_ =	shalt  }
0x56: {  	_ =	shalt  }
0x57: {  	_ =	shalt  }
0x58: {  	_ =	shalt  }
0x59: {  	_ =	shalt  }
0x5a: {  	_ =	shalt  }
0x5b: {  	_ =	shalt  }
0x5c: {  	_ =	shalt  }
0x5d: {  	_ =	shalt  }
0x5e: {  	_ =	shalt  }
0x5f: {  	_ =	shalt  }
0x60: {  	_ =	shalt  }
0x61: {  	_ =	shalt  }
0x62: {  	_ =	shalt  }
0x63: {  	_ =	shalt  }
0x64: {  	_ =	shalt  }
0x65: {  	_ =	shalt  }
0x66: {  	_ =	shalt  }
0x67: {  	_ =	shalt  }
0x68: {  	_ =	shalt  }
0x69: {  	_ =	shalt  }
0x6a: {  	_ =	shalt  }
0x6b: {  	_ =	shalt  }
0x6c: {  	_ =	shalt  }
0x6d: {  	_ =	shalt  }
0x6e: {  	_ =	shalt  }
0x6f: {  	_ =	shalt  }
0x70: {  	_ =	shalt  }
0x71: {  	_ =	shalt  }
0x72: {  	_ =	shalt  }
0x73: {  	_ =	shalt  }
0x74: {  	_ =	shalt  }
0x75: {  	_ =	shalt  }
0x76: {  	_ =	shalt  }
0x77: {  	_ =	shalt  }
0x78: {  	_ =	shalt  }
0x79: {  	_ =	shalt  }
0x7a: {  	_ =	shalt  }
0x7b: {  	_ =	shalt  }
0x7c: {  	_ =	shalt  }
0x7d: {  	_ =	shalt  }
0x7e: {  	_ =	shalt  }
0x7f: {  	_ =	shalt  }
0x80: {  	_ =	shalt  }
0x81: {  	_ =	shalt  }
0x82: {  	_ =	shalt  }
0x83: {  	_ =	shalt  }
0x84: {  	_ =	shalt  }
0x85: {  	_ =	shalt  }
0x86: {  	_ =	shalt  }
0x87: {  	_ =	shalt  }
.Lfunc_end0:
.L_simem_size_0:
called_computation_lowered:
.L_overlay_start_0:
0x88: {  	s2 =	sld [smem:$0x3FD9]  }
0x89: {  	s3 =	sld [smem:$0x3FFE];
	_ =	sdelay $0x1  }
0x8a: {  	s1 =	srdreg.scid  }
0x8b: {  	s0 =	sand.u32 $0x1, s1  }
0x8c: {  	s17 =	sshll.u32 s0, $0xA;
	s2 =	sadd.s32 s3, s2  }
0x8d: {  	s2 =	sadd.s32 s2, s17  }
0x8e: {  	[smem:$0x3FC6] =	sst s2  }
0x8f: {  	_ = 	snop  }
0x90: {  	s2 =	sld [smem:$0x3FC9]  }
0x91: {  	s18 =	sld [smem:$0x3FD0];
	(tm) =	ssettm $0x1  }
0x92: {  	s4 =	sld [smem:$0x3FFB];
	_ =	sdelay $0x3  }
0x93: {  	_ =	strace s4  }
0x94: {  	s4 =	sld [smem:$0x3FFC];
	_ =	sdelay $0x3  }
0x95: {  	_ =	strace s4  }
0x96: {  	s4 =	sld [smem:$0x3FFD];
	_ =	sdelay $0x3  }
0x97: {  	_ =	strace s4  }
0x98: {  	_ =	strace $0x8FFFFFFF  }
0x99: {  	s19 =	sld [smem:$0x3FDB];
	_ =	sdelay $0x1  }
0x9a: {  	s5 =	simm.s32 $_scs_section_size  }
0x9b: {  	s6 =	simm.s32 $_size__tile_overlayer_lowered;
	s7 =	simm.s32 $_tile_overlayer_lowered  }
0x9c: {  	s22 =	simm.s32 $0x1BFF;
	s21 =	sshll.u32 s7, $0x1;
	s4 =	sadd.s32 s5, s19  }
0x9d: {  	s8 =	simm.s32 $0x0;
	s20 =	sshll.u32 s6, $0x1;
	s6 =	sadd.s32 s21, s4  }
0x9e: {  	[timem:s8], [sflag:s22] =	dma.local [hbm:s6], s20  }
0x9f: {  	_ =	swait.ge [sflag:s22], s20  }
0xa0: {  	s5 =	ssub.s32 $0x0, s20;
	[sflag:s22] =	ssyncset.done $0x0  }
0xa1: {  	[sflag:s22] =	ssyncadd.s32 s5;
	_ =	sdelay $0x1  }
0xa2: {  	s23 =	simm.s32 $0x1B8B  }
0xa3: {  	_ =	swait.ge [sflag:s23], $0x1  }
0xa4: {  	[sflag:s23] =	ssyncset.done $0x0  }
0xa5: {  	s25 =	simm.s32 $0x1B8E;
	s24 =	sld [smem:$0x3FFE];
	[sflag:s23] =	ssyncadd.s32 $0xFFFFFFFF  }
0xa6: {  	s26 =	simm.s32 $execute0_lowered;
	[smem:$0x3FD2] =	sst s25  }
0xa7: {  	s6 =	sshll.u32 s26, $0x1;
	_ =	strace $0x80000046;
	[dreg:$0x1] =	wrdreg $0xFFFFFFFF  }
0xa8: {  	s28 =	simm.s32 $_size_execute0_lowered;
	s4 =	sadd.s32 s4, s6;
	[dreg:$0x0] =	wrdreg $0x0  }
0xa9: {  	s6 =	sshll.u32 s28, $0x1;
	[dreg:$0x2] =	wrdreg s4  }
0xaa: {  	[dreg:$0x3] =	wrdreg s6  }
0xab: {  	[dreg:$0x4] =	wrdreg $0xC0  }
0xac: {  	_ =	task [dreg:s8], $0x5FFFF  }
0xad: {  	[dreg:$0x1] =	wrdreg $0xFFFFFFFF  }
0xae: {  	[dreg:$0x0] =	wrdreg $0x60  }
0xaf: {  	[dreg:$0x2] =	wrdreg s2  }
0xb0: {  	[dreg:$0x3] =	wrdreg s24  }
0xb1: {  	[dreg:$0x4] =	wrdreg s18  }
0xb2: {  	[dreg:$0x5] =	wrdreg $0x9  }
0xb3: {  	_ =	task.clear_ibuf [dreg:s8], $0x6FFFF;
	_ =	strace $0x90000046  }
0xb4: {  	s29 =	simm.s32 $0x9;
	_ =	strace $0x8000004B  }
0xb5: {  	_ =	swait.ge [sflag:s29], $0x1  }
0xb6: {  	[sflag:s29] =	ssyncadd.s32 $0xFFFFFFFF  }
0xb7: {  	_ =	strace $0x9000004B  }
0xb8: {  	_ =	sfence  }
0xb9: {  	s30 =	sld [smem:$0x0];
	_ =	sdelay $0x2  }
0xba: {  	s31 =	sshll.u32 s1, $0xD;
	s1 =	sshrl.u32 s1, $0x2  }
0xbb: {  	s3 =	sand.u32 $0x4000, s31;
	s1 =	sadd.s32 s1, s30  }
0xbc: {  	s0 =	sor.u32 s3, s0;
	s1 =	sshll.u32 s1, $0x11  }
0xbd: {  	s0 =	sor.u32 s1, s0  }
0xbe: {  	s0 =	sadd.s32 $0x8F2B, s0  }
0xbf: {  	[sflag:s0] =	ssyncadd.remote.s32 $0x1  }
0xc0: {  	_ =	sfence.sel $0xFFFF  }
0xc1: {  	[dreg:$0x0] =	wrdreg $0xFFFFFFFF;
	(pc) =	sbr.abs _section_cstart, $3  }
0xc2: {  	[dreg:$0x1] =	wrdreg $0xFFFFFFFF  }
0xc3: {  	_ =	task.clear_ibuf [dreg:s8], $0x2FFFF;
	_ =	strace $0x9FFFFFFF  }
0xc4: {  	(tm) =	ssettm $0x7FFFFFFF  }
0xc5: {  	_ =	shalt  }
tec
execute0_lowered:
.L_overlay_start_1:
0x0: {  	(tag) =	ssettag $0x1  }
0x1: {  	s1 =	rddreg [dreg:$0x0]  }
0x2: {  	s4 =	rddreg [dreg:$0x1]  }
0x3: {  	s5 =	rddreg [dreg:$0x2];
	s3 =	simm.s32 $0x0  }
0x4: {  	s21 =	simm.s32 $0x880;
	[smem:$0x7FF] =	sst s3  }
0x5: {  	s22 =	simm.s32 $0x1080;
	_ =	strace $0x80000047;
	[dreg:$0x6] =	wrdreg s21  }
0x6: {  	s23 =	simm.s32 $0x1880;
	[dreg:$0x7] =	wrdreg s22  }
0x7: {  	s24 =	simm.s32 $0x2080;
	[dreg:$0x8] =	wrdreg s23  }
0x8: {  	s2 =	srdreg.scid;
	s25 =	simm.s32 $0x2880;
	[dreg:$0x9] =	wrdreg s24  }
0x9: {  	s0 =	stileid.u32;
	s26 =	simm.s32 $0x3080;
	[dreg:$0xa] =	wrdreg s25  }
0xa: {  	s8 =	simm.s32 $0x5080;
	s9 =	simm.s32 $0x5880;
	[dreg:$0xb] =	wrdreg s26  }
0xb: {  	s10 =	simm.s32 $0x6080;
	s11 =	simm.s32 $0x6880;
	[dreg:$0xf] =	wrdreg s8  }
0xc: {  	s12 =	simm.s32 $0x7080;
	s13 =	simm.s32 $0x7880;
	[dreg:$0x10] =	wrdreg s9  }
0xd: {  	s14 =	simm.s32 $0x8080;
	s16 =	simm.s32 $0x8880;
	[dreg:$0x11] =	wrdreg s10  }
0xe: {  	s17 =	simm.s32 $0x9080;
	s19 =	simm.s32 $0x9880;
	[dreg:$0x12] =	wrdreg s11  }
0xf: {  	s28 =	simm.s32 $0x16080;
	s29 =	simm.s32 $0x16880;
	[dreg:$0x13] =	wrdreg s12  }
0x10: {  	s30 =	simm.s32 $0x17080;
	s31 =	simm.s32 $0x17880;
	[dreg:$0x14] =	wrdreg s13  }
0x11: {  	s2 =	sand.u32 $0x1, s2;
	s6 =	sshll.u32 s0, $0x5;
	[dreg:$0x15] =	wrdreg s14  }
0x12: {  	s18 =	sshll.u32 s0, $0xB;
	s7 =	sshll.u32 s2, $0x4;
	[dreg:$0x16] =	wrdreg s16  }
0x13: {  	s2 =	ssub.s32 $0x2, s2;
	[dreg:$0x17] =	wrdreg s17;
	s26 =	sand.u32 $0x6000, s18  }
0x14: {  	[dreg:$0x18] =	wrdreg s19;
	s21 =	simm.s32 $0xA880;
	s22 =	simm.s32 $0xB080  }
0x15: {  	s23 =	simm.s32 $0xB880;
	s24 =	simm.s32 $0xC080;
	s8 =	simm.s32 $0x80  }
0x16: {  	s25 =	simm.s32 $0xC880;
	s10 =	simm.s32 $0xD880;
	s11 =	simm.s32 $0xE080  }
0x17: {  	s12 =	simm.s32 $0xE880;
	s13 =	simm.s32 $0xF080;
	[dreg:$0x1a] =	wrdreg s21  }
0x18: {  	s14 =	simm.s32 $0xF880;
	s16 =	simm.s32 $0x10880;
	[dreg:$0x1b] =	wrdreg s22  }
0x19: {  	s17 =	simm.s32 $0x11080;
	s18 =	simm.s32 $0x11880;
	[dreg:$0x1c] =	wrdreg s23  }
0x1a: {  	s19 =	simm.s32 $0x12080;
	s6 =	sor.u32 s7, s6;
	[dreg:$0x1d] =	wrdreg s24  }
0x1b: {  	s7 =	simm.s32 $0x4880;
	s15 =	sshrl.u32 s2, $0x1;
	[dreg:$0x1e] =	wrdreg s25  }
0x1c: {  	s21 =	simm.s32 $0x13080;
	s22 =	simm.s32 $0x13880;
	s23 =	simm.s32 $0x14080  }
0x1d: {  	s24 =	simm.s32 $0x14880;
	s4 =	sadd.s32 s6, s4;
	s6 =	smul.u32 $0x300, s6  }
0x1e: {  	s25 =	simm.s32 $0x15080;
	[dreg:$0xe] =	wrdreg s7;
	s4 =	sadd.s32 $0x400, s4  }
0x1f: {  	v0 =	vmov s26;
	s26 =	simm.s32 $0x15880;
	[dreg:$0x4] =	wrdreg s4;
	s20 =	sadd.s32 s5, s6  }
0x20: {  	s2 =	ssub.s32 s2, s15;
	s5 =	simm.s32 $0x3880;
	[dreg:$0x5] =	wrdreg s20  }
0x21: {  	s7 =	simm.s32 $0x2;
	s6 =	simm.s32 $0x4080;
	[dreg:$0xc] =	wrdreg s5  }
0x22: {  	v3 =	vlaneseq.u32;
	s15 =	simm.s32 $0x10080;
	s4 =	sadd.s32 $0x100, s1;
	[dreg:$0xd] =	wrdreg s6  }
0x23: {  	vm0 =	vmmov $0xffff;
	v2 =	vshrl.u32 v3, $0x3;
	s20 =	simm.s32 $0xA080;
	s5 =	sadd.s32 $0x200, s1;
	s6 =	smax.u32 s2, $0x1  }
0x24: {  	v1 =	vand.u32 $0x7, v3;
	v3 =	vor.u32 $0x8, v3;
	v2 =	vmul.u32 $0x8, v2;
	s2 =	simm.s32 $0x1;
	[dreg:$0x19] =	wrdreg s20;
	s20 =	simm.s32 $0x12880  }
.LBB2_1:
0x25: {  	_ =	strace $0x80000048  }
0x26: {  	s0 =	rddreg [dreg:$0x4]  }
0x27: {  	[tilespmem:s3], [sflag:$0x2] =	stream.linear.gather [hbm4b:s0+s3], $0x80, $0x200038;
	[tilespmem:$0x18080] =	vst v63  }
0x28: {  	_ =	swait.ge [sflag:s7], $0x80  }
0x29: {  	[sflag:s7] =	ssyncset.done $0x0  }
0x2a: {  	[sflag:s7] =	ssyncadd.s32 $0xFFFFFF80  }
0x2b: {  	v4 =	vld [tilespmem:$0x0]  }
0x2c: {  	v5 =	vld [tilespmem:$0x10]  }
0x2d: {  	v6 =	vld [tilespmem:$0x20]  }
0x2e: {  	v7 =	vld [tilespmem:$0x30]  }
0x2f: {  	v8 =	vld [tilespmem:$0x40]  }
0x30: {  	v9 =	vld [tilespmem:$0x50];
	v4 =	vadd.s32 v0, v4  }
0x31: {  	[tilespmem:$0x0] =	vst v4;
	v4 =	vadd.s32 v0, v5;
	v5 =	vld [tilespmem:$0x60]  }
0x32: {  	v63 =	vld [tilespmem:$0x70];
	[tilespmem:$0x10] =	vst v4;
	v4 =	vadd.s32 v0, v6  }
0x33: {  	[tilespmem:$0x20] =	vst v4;
	v4 =	vadd.s32 v0, v7  }
0x34: {  	[tilespmem:$0x30] =	vst v4;
	v4 =	vadd.s32 v0, v8  }
0x35: {  	[tilespmem:$0x40] =	vst v4;
	v4 =	vadd.s32 v0, v9  }
0x36: {  	[tilespmem:$0x50] =	vst v4;
	v4 =	vadd.s32 v0, v5  }
0x37: {  	[tilespmem:$0x60] =	vst v4;
	v4 =	vadd.s32 v0, v63  }
0x38: {  	[tilespmem:$0x70] =	vst v4  }
0x39: {  	_ =	strace $0x90000048  }
0x3a: {  	_ =	strace $0x80000049  }
0x3b: {  	v4 =	vld [tilespmem:$0x0];
	_ =	sdelay $0x4  }
0x3c: {  	v5 =	vshrl.u32 v4, $0x3  }
0x3d: {  	v5 =	vmul.u32 $0x30, v5  }
0x3e: {  	v4 =	vand.u32 $0x7, v4  }
0x3f: {  	v4 =	vor.u32 v4, v5  }
0x40: {  	v5 =	vperm.xlane v4, v1;
	_ =	sdelay $0x1  }
0x41: {  	v5 =	vadd.s32 v2, v5;
	_ =	sdelay $0x3  }
0x42: {  	v4 =	vperm.xlane v4, v3  }
0x43: {  	[tilespmem:s8], [sflag:$0x1] =	stream.indirect_vreg.gather [hbm4b:s1+s3], $0x80, v5, vm0, $0x2000b8;
	[tilespmem:$0x18080] =	vst v63  }
0x44: {  	s0 =	rddreg [dreg:$0x6];
	v4 =	vadd.s32 v2, v4  }
0x45: {  	[tilespmem:s0], [sflag:$0x1] =	stream.indirect_vreg.gather [hbm4b:s4+s3], $0x80, v5, vm0, $0x2000b8;
	[tilespmem:$0x18080] =	vst v63  }
0x46: {  	s9 =	rddreg [dreg:$0x7]  }
0x47: {  	[tilespmem:s9], [sflag:$0x1] =	stream.indirect_vreg.gather [hbm4b:s5+s3], $0x80, v5, vm0, $0x2000b8;
	[tilespmem:$0x18080] =	vst v63  }
0x48: {  	s0 =	rddreg [dreg:$0x8]  }
0x49: {  	[tilespmem:s0], [sflag:$0x1] =	stream.indirect_vreg.gather [hbm4b:s1+s3], $0x80, v4, vm0, $0x2000b8;
	[tilespmem:$0x18080] =	vst v63  }
0x4a: {  	s9 =	rddreg [dreg:$0x9]  }
0x4b: {  	[tilespmem:s9], [sflag:$0x1] =	stream.indirect_vreg.gather [hbm4b:s4+s3], $0x80, v4, vm0, $0x2000b8;
	[tilespmem:$0x18080] =	vst v63  }
0x4c: {  	s0 =	rddreg [dreg:$0xa]  }
0x4d: {  	[tilespmem:s0], [sflag:$0x1] =	stream.indirect_vreg.gather [hbm4b:s5+s3], $0x80, v4, vm0, $0x2000b8;
	[tilespmem:$0x18080] =	vst v63  }
0x4e: {  	v4 =	vld [tilespmem:$0x10];
	_ =	sdelay $0x4  }
0x4f: {  	v5 =	vshrl.u32 v4, $0x3  }
0x50: {  	v5 =	vmul.u32 $0x30, v5  }
0x51: {  	v4 =	vand.u32 $0x7, v4  }
0x52: {  	v4 =	vor.u32 v4, v5  }
0x53: {  	v5 =	vperm.xlane v4, v1;
	_ =	sdelay $0x1  }
0x54: {  	v5 =	vadd.s32 v2, v5;
	_ =	sdelay $0x3  }
0x55: {  	s0 =	rddreg [dreg:$0xb];
	v4 =	vperm.xlane v4, v3  }
0x56: {  	[tilespmem:s0], [sflag:$0x1] =	stream.indirect_vreg.gather [hbm4b:s1+s3], $0x80, v5, vm0, $0x2000b8;
	[tilespmem:$0x18080] =	vst v63  }
0x57: {  	s9 =	rddreg [dreg:$0xc];
	v4 =	vadd.s32 v2, v4  }
0x58: {  	[tilespmem:s9], [sflag:$0x1] =	stream.indirect_vreg.gather [hbm4b:s4+s3], $0x80, v5, vm0, $0x2000b8;
	[tilespmem:$0x18080] =	vst v63  }
0x59: {  	s0 =	rddreg [dreg:$0xd]  }
0x5a: {  	[tilespmem:s0], [sflag:$0x1] =	stream.indirect_vreg.gather [hbm4b:s5+s3], $0x80, v5, vm0, $0x2000b8;
	[tilespmem:$0x18080] =	vst v63  }
0x5b: {  	s9 =	rddreg [dreg:$0xe]  }
0x5c: {  	[tilespmem:s9], [sflag:$0x1] =	stream.indirect_vreg.gather [hbm4b:s1+s3], $0x80, v4, vm0, $0x2000b8;
	[tilespmem:$0x18080] =	vst v63  }
0x5d: {  	s0 =	rddreg [dreg:$0xf]  }
0x5e: {  	[tilespmem:s0], [sflag:$0x1] =	stream.indirect_vreg.gather [hbm4b:s4+s3], $0x80, v4, vm0, $0x2000b8;
	[tilespmem:$0x18080] =	vst v63  }
0x5f: {  	s9 =	rddreg [dreg:$0x10]  }
0x60: {  	[tilespmem:s9], [sflag:$0x1] =	stream.indirect_vreg.gather [hbm4b:s5+s3], $0x80, v4, vm0, $0x2000b8;
	[tilespmem:$0x18080] =	vst v63  }
0x61: {  	v4 =	vld [tilespmem:$0x20];
	_ =	sdelay $0x4  }
0x62: {  	v5 =	vshrl.u32 v4, $0x3  }
0x63: {  	v5 =	vmul.u32 $0x30, v5  }
0x64: {  	v4 =	vand.u32 $0x7, v4  }
0x65: {  	v4 =	vor.u32 v4, v5  }
0x66: {  	v5 =	vperm.xlane v4, v1;
	_ =	sdelay $0x1  }
0x67: {  	v5 =	vadd.s32 v2, v5;
	_ =	sdelay $0x3  }
0x68: {  	s0 =	rddreg [dreg:$0x11];
	v4 =	vperm.xlane v4, v3  }
0x69: {  	[tilespmem:s0], [sflag:$0x1] =	stream.indirect_vreg.gather [hbm4b:s1+s3], $0x80, v5, vm0, $0x2000b8;
	[tilespmem:$0x18080] =	vst v63  }
0x6a: {  	s9 =	rddreg [dreg:$0x12];
	v4 =	vadd.s32 v2, v4  }
0x6b: {  	[tilespmem:s9], [sflag:$0x1] =	stream.indirect_vreg.gather [hbm4b:s4+s3], $0x80, v5, vm0, $0x2000b8;
	[tilespmem:$0x18080] =	vst v63  }
0x6c: {  	s0 =	rddreg [dreg:$0x13]  }
0x6d: {  	[tilespmem:s0], [sflag:$0x1] =	stream.indirect_vreg.gather [hbm4b:s5+s3], $0x80, v5, vm0, $0x2000b8;
	[tilespmem:$0x18080] =	vst v63  }
0x6e: {  	s9 =	rddreg [dreg:$0x14]  }
0x6f: {  	[tilespmem:s9], [sflag:$0x1] =	stream.indirect_vreg.gather [hbm4b:s1+s3], $0x80, v4, vm0, $0x2000b8;
	[tilespmem:$0x18080] =	vst v63  }
0x70: {  	s0 =	rddreg [dreg:$0x15]  }
0x71: {  	[tilespmem:s0], [sflag:$0x1] =	stream.indirect_vreg.gather [hbm4b:s4+s3], $0x80, v4, vm0, $0x2000b8;
	[tilespmem:$0x18080] =	vst v63  }
0x72: {  	s9 =	rddreg [dreg:$0x16]  }
0x73: {  	[tilespmem:s9], [sflag:$0x1] =	stream.indirect_vreg.gather [hbm4b:s5+s3], $0x80, v4, vm0, $0x2000b8;
	[tilespmem:$0x18080] =	vst v63  }
0x74: {  	v4 =	vld [tilespmem:$0x30];
	_ =	sdelay $0x4  }
0x75: {  	v5 =	vshrl.u32 v4, $0x3  }
0x76: {  	v5 =	vmul.u32 $0x30, v5  }
0x77: {  	v4 =	vand.u32 $0x7, v4  }
0x78: {  	v4 =	vor.u32 v4, v5  }
0x79: {  	v5 =	vperm.xlane v4, v1;
	_ =	sdelay $0x1  }
0x7a: {  	v5 =	vadd.s32 v2, v5;
	_ =	sdelay $0x3  }
0x7b: {  	s0 =	rddreg [dreg:$0x17];
	v4 =	vperm.xlane v4, v3  }
0x7c: {  	[tilespmem:s0], [sflag:$0x1] =	stream.indirect_vreg.gather [hbm4b:s1+s3], $0x80, v5, vm0, $0x2000b8;
	[tilespmem:$0x18080] =	vst v63  }
0x7d: {  	s9 =	rddreg [dreg:$0x18];
	v4 =	vadd.s32 v2, v4  }
0x7e: {  	[tilespmem:s9], [sflag:$0x1] =	stream.indirect_vreg.gather [hbm4b:s4+s3], $0x80, v5, vm0, $0x2000b8;
	[tilespmem:$0x18080] =	vst v63  }
0x7f: {  	s0 =	rddreg [dreg:$0x19]  }
0x80: {  	[tilespmem:s0], [sflag:$0x1] =	stream.indirect_vreg.gather [hbm4b:s5+s3], $0x80, v5, vm0, $0x2000b8;
	[tilespmem:$0x18080] =	vst v63  }
0x81: {  	s9 =	rddreg [dreg:$0x1a]  }
0x82: {  	[tilespmem:s9], [sflag:$0x1] =	stream.indirect_vreg.gather [hbm4b:s1+s3], $0x80, v4, vm0, $0x2000b8;
	[tilespmem:$0x18080] =	vst v63  }
0x83: {  	s0 =	rddreg [dreg:$0x1b]  }
0x84: {  	[tilespmem:s0], [sflag:$0x1] =	stream.indirect_vreg.gather [hbm4b:s4+s3], $0x80, v4, vm0, $0x2000b8;
	[tilespmem:$0x18080] =	vst v63  }
0x85: {  	s9 =	rddreg [dreg:$0x1c]  }
0x86: {  	[tilespmem:s9], [sflag:$0x1] =	stream.indirect_vreg.gather [hbm4b:s5+s3], $0x80, v4, vm0, $0x2000b8;
	[tilespmem:$0x18080] =	vst v63  }
0x87: {  	v4 =	vld [tilespmem:$0x40];
	_ =	sdelay $0x4  }
0x88: {  	v5 =	vshrl.u32 v4, $0x3  }
0x89: {  	v5 =	vmul.u32 $0x30, v5  }
0x8a: {  	v4 =	vand.u32 $0x7, v4  }
0x8b: {  	v4 =	vor.u32 v4, v5  }
0x8c: {  	v5 =	vperm.xlane v4, v1;
	_ =	sdelay $0x1  }
0x8d: {  	v5 =	vadd.s32 v2, v5;
	_ =	sdelay $0x3  }
0x8e: {  	s0 =	rddreg [dreg:$0x1d];
	v4 =	vperm.xlane v4, v3  }
0x8f: {  	[tilespmem:s0], [sflag:$0x1] =	stream.indirect_vreg.gather [hbm4b:s1+s3], $0x80, v5, vm0, $0x2000b8;
	[tilespmem:$0x18080] =	vst v63  }
0x90: {  	s9 =	rddreg [dreg:$0x1e];
	v4 =	vadd.s32 v2, v4  }
0x91: {  	[tilespmem:s9], [sflag:$0x1] =	stream.indirect_vreg.gather [hbm4b:s4+s3], $0x80, v5, vm0, $0x2000b8;
	[tilespmem:$0x18080] =	vst v63  }
0x92: {  	s9 =	simm.s32 $0xD080  }
0x93: {  	[tilespmem:s9], [sflag:$0x1] =	stream.indirect_vreg.gather [hbm4b:s5+s3], $0x80, v5, vm0, $0x2000b8;
	[tilespmem:$0x18080] =	vst v63  }
0x94: {  	_ = 	snop  }
0x95: {  	[tilespmem:s10], [sflag:$0x1] =	stream.indirect_vreg.gather [hbm4b:s1+s3], $0x80, v4, vm0, $0x2000b8;
	[tilespmem:$0x18080] =	vst v63  }
0x96: {  	_ = 	snop  }
0x97: {  	[tilespmem:s11], [sflag:$0x1] =	stream.indirect_vreg.gather [hbm4b:s4+s3], $0x80, v4, vm0, $0x2000b8;
	[tilespmem:$0x18080] =	vst v63  }
0x98: {  	_ = 	snop  }
0x99: {  	[tilespmem:s12], [sflag:$0x1] =	stream.indirect_vreg.gather [hbm4b:s5+s3], $0x80, v4, vm0, $0x2000b8;
	[tilespmem:$0x18080] =	vst v63  }
0x9a: {  	v4 =	vld [tilespmem:$0x50];
	_ =	sdelay $0x4  }
0x9b: {  	v5 =	vshrl.u32 v4, $0x3  }
0x9c: {  	v5 =	vmul.u32 $0x30, v5  }
0x9d: {  	v4 =	vand.u32 $0x7, v4  }
0x9e: {  	v4 =	vor.u32 v4, v5  }
0x9f: {  	v5 =	vperm.xlane v4, v1;
	_ =	sdelay $0x1  }
0xa0: {  	v5 =	vadd.s32 v2, v5;
	_ =	sdelay $0x3  }
0xa1: {  	v4 =	vperm.xlane v4, v3  }
0xa2: {  	[tilespmem:s13], [sflag:$0x1] =	stream.indirect_vreg.gather [hbm4b:s1+s3], $0x80, v5, vm0, $0x2000b8;
	[tilespmem:$0x18080] =	vst v63  }
0xa3: {  	v4 =	vadd.s32 v2, v4  }
0xa4: {  	[tilespmem:s14], [sflag:$0x1] =	stream.indirect_vreg.gather [hbm4b:s4+s3], $0x80, v5, vm0, $0x2000b8;
	[tilespmem:$0x18080] =	vst v63  }
0xa5: {  	_ = 	snop  }
0xa6: {  	[tilespmem:s15], [sflag:$0x1] =	stream.indirect_vreg.gather [hbm4b:s5+s3], $0x80, v5, vm0, $0x2000b8;
	[tilespmem:$0x18080] =	vst v63  }
0xa7: {  	_ = 	snop  }
0xa8: {  	[tilespmem:s16], [sflag:$0x1] =	stream.indirect_vreg.gather [hbm4b:s1+s3], $0x80, v4, vm0, $0x2000b8;
	[tilespmem:$0x18080] =	vst v63  }
0xa9: {  	_ = 	snop  }
0xaa: {  	[tilespmem:s17], [sflag:$0x1] =	stream.indirect_vreg.gather [hbm4b:s4+s3], $0x80, v4, vm0, $0x2000b8;
	[tilespmem:$0x18080] =	vst v63  }
0xab: {  	_ = 	snop  }
0xac: {  	[tilespmem:s18], [sflag:$0x1] =	stream.indirect_vreg.gather [hbm4b:s5+s3], $0x80, v4, vm0, $0x2000b8;
	[tilespmem:$0x18080] =	vst v63  }
0xad: {  	v4 =	vld [tilespmem:$0x60];
	_ =	sdelay $0x4  }
0xae: {  	v5 =	vshrl.u32 v4, $0x3  }
0xaf: {  	v5 =	vmul.u32 $0x30, v5  }
0xb0: {  	v4 =	vand.u32 $0x7, v4  }
0xb1: {  	v4 =	vor.u32 v4, v5  }
0xb2: {  	v5 =	vperm.xlane v4, v1;
	_ =	sdelay $0x1  }
0xb3: {  	v5 =	vadd.s32 v2, v5;
	_ =	sdelay $0x3  }
0xb4: {  	v4 =	vperm.xlane v4, v3  }
0xb5: {  	[tilespmem:s19], [sflag:$0x1] =	stream.indirect_vreg.gather [hbm4b:s1+s3], $0x80, v5, vm0, $0x2000b8;
	[tilespmem:$0x18080] =	vst v63  }
0xb6: {  	v4 =	vadd.s32 v2, v4  }
0xb7: {  	[tilespmem:s20], [sflag:$0x1] =	stream.indirect_vreg.gather [hbm4b:s4+s3], $0x80, v5, vm0, $0x2000b8;
	[tilespmem:$0x18080] =	vst v63  }
0xb8: {  	_ = 	snop  }
0xb9: {  	[tilespmem:s21], [sflag:$0x1] =	stream.indirect_vreg.gather [hbm4b:s5+s3], $0x80, v5, vm0, $0x2000b8;
	[tilespmem:$0x18080] =	vst v63  }
0xba: {  	_ = 	snop  }
0xbb: {  	[tilespmem:s22], [sflag:$0x1] =	stream.indirect_vreg.gather [hbm4b:s1+s3], $0x80, v4, vm0, $0x2000b8;
	[tilespmem:$0x18080] =	vst v63  }
0xbc: {  	_ = 	snop  }
0xbd: {  	[tilespmem:s23], [sflag:$0x1] =	stream.indirect_vreg.gather [hbm4b:s4+s3], $0x80, v4, vm0, $0x2000b8;
	[tilespmem:$0x18080] =	vst v63  }
0xbe: {  	_ = 	snop  }
0xbf: {  	[tilespmem:s24], [sflag:$0x1] =	stream.indirect_vreg.gather [hbm4b:s5+s3], $0x80, v4, vm0, $0x2000b8;
	[tilespmem:$0x18080] =	vst v63  }
0xc0: {  	v4 =	vld [tilespmem:$0x70];
	_ =	sdelay $0x4  }
0xc1: {  	v5 =	vshrl.u32 v4, $0x3  }
0xc2: {  	v5 =	vmul.u32 $0x30, v5  }
0xc3: {  	v4 =	vand.u32 $0x7, v4  }
0xc4: {  	v4 =	vor.u32 v4, v5  }
0xc5: {  	v5 =	vperm.xlane v4, v1;
	_ =	sdelay $0x1  }
0xc6: {  	v5 =	vadd.s32 v2, v5;
	_ =	sdelay $0x3  }
0xc7: {  	v4 =	vperm.xlane v4, v3  }
0xc8: {  	[tilespmem:s25], [sflag:$0x1] =	stream.indirect_vreg.gather [hbm4b:s1+s3], $0x80, v5, vm0, $0x2000b8;
	[tilespmem:$0x18080] =	vst v63  }
0xc9: {  	v4 =	vadd.s32 v2, v4  }
0xca: {  	[tilespmem:s26], [sflag:$0x1] =	stream.indirect_vreg.gather [hbm4b:s4+s3], $0x80, v5, vm0, $0x2000b8;
	[tilespmem:$0x18080] =	vst v63  }
0xcb: {  	_ = 	snop  }
0xcc: {  	[tilespmem:s28], [sflag:$0x1] =	stream.indirect_vreg.gather [hbm4b:s5+s3], $0x80, v5, vm0, $0x2000b8;
	[tilespmem:$0x18080] =	vst v63  }
0xcd: {  	_ = 	snop  }
0xce: {  	[tilespmem:s29], [sflag:$0x1] =	stream.indirect_vreg.gather [hbm4b:s1+s3], $0x80, v4, vm0, $0x2000b8;
	[tilespmem:$0x18080] =	vst v63  }
0xcf: {  	_ = 	snop  }
0xd0: {  	[tilespmem:s30], [sflag:$0x1] =	stream.indirect_vreg.gather [hbm4b:s4+s3], $0x80, v4, vm0, $0x2000b8;
	[tilespmem:$0x18080] =	vst v63  }
0xd1: {  	_ = 	snop  }
0xd2: {  	[tilespmem:s31], [sflag:$0x1] =	stream.indirect_vreg.gather [hbm4b:s5+s3], $0x80, v4, vm0, $0x2000b8;
	[tilespmem:$0x18080] =	vst v63  }
0xd3: {  	_ =	swait.ge [sflag:s2], $0x18000  }
0xd4: {  	[sflag:s2] =	ssyncset.done $0x0  }
0xd5: {  	[sflag:s2] =	ssyncadd.s32 $0xFFFE8000  }
0xd6: {  	_ =	strace $0x90000049  }
0xd7: {  	_ =	strace $0x8000004A  }
0xd8: {  	p0 =	sne.s32 s6, $0x1;
	s9 =	rddreg [dreg:$0x5]  }
0xd9: {  	[hbm4b:s9+s3] =	stream.linear.scatter [tilespmem:s8], [sflag:$0x2], $0x18000, $0x200038;
	[tilespmem:$0x18080] =	vst v63  }
.Ltmp0:
0xda: {  	_ = 	snop;
	(pc) =	sbr.rel @p0 .LBB2_1-.Ltmp0, $4  }
0xdb: {  	_ =	swait.ge [sflag:s7], $0x18000  }
0xdc: {  	[sflag:s7] =	ssyncset.done $0x0  }
0xdd: {  	[sflag:s7] =	ssyncadd.s32 $0xFFFE8000  }
0xde: {  	s6 =	sadd.s32 $0xFFFFFFFF, s6;
	_ =	strace $0x9000004A  }
0xdf: {  	_ =	sfence.sel $0x180000  }
0xe0: {  	[bflag:$0x0] =	sbarrier.arrive $0xFFFF  }
0xe1: {  	_ =	strace $0x90000047  }
0xe2: {  	s0 =	stileid.u32;
	[bflag:$0x2] =	sbarrier.arrive $0xFFFF  }
0xe3: {  	p0 =	sne.s32 s0, $0x0;
	s0 =	rddreg [dreg:$0x3]  }
0xe4: {  	s0 =	sadd.s32 @!p0 $0x100000, s0  }
0xe5: {  	[sflag:s0] =	ssyncadd.tile.s32 @!p0 $0x1;
	_ =	shalt  }
.Lfunc_end2:
_tile_overlayer_lowered:
.L_overlay_start_2:
0xe6: {  	(tag) =	ssettag $0x2  }
0xe7: {  	s0 =	rddreg [dreg:$0x0];
	s2 =	stileid.u32  }
0xe8: {  	s1 =	rddreg [dreg:$0x1];
	p0 =	sne.s32 s2, $0x0  }
0xe9: {  	s3 =	rddreg [dreg:$0x2];
	[bflag:$0x3] =	sbarrier.arrive $0xFFFF;
	s2 =	simm.s32 @!p0 $0x1C02  }
0xea: {  	[timem:s3], [sflag:s2] =	dma.local @!p0 [hbm:s0], s1  }
0xeb: {  	s0 =	simm.s32 @!p0 $0x2  }
0xec: {  	_ =	swait.ge @!p0 [sflag:s0], s1  }
0xed: {  	s1 =	ssub.s32 @!p0 $0x0, s1;
	[sflag:s0] =	ssyncset.done @!p0 $0x0  }
0xee: {  	[sflag:s0] =	ssyncadd.s32 @!p0 s1  }
0xef: {  	[bflag:$0x3] =	sbarrier.arrive $0xFFFF  }
0xf0: {  	_ =	shalt  }

</sc_bundles>
